<compile_context>
chip_gen: v7x
topology: tpu7x:2x2x1
jax: 0.10.2.dev20260603
libtpu: 0.0.44.dev20260713+nightly
codegen_flags: <defaults>
</compile_context>

<pallas_src>
import functools

import jax
import jax.numpy as jnp
from jax import lax
from jax.experimental import pallas as pl
from jax.experimental.pallas import tpu as pltpu
from jax.experimental.pallas import tpu_sc as plsc

_NC = 2
_NS = 16
_NW = _NC * _NS

_CHUNK = 128


def _gather_body(n_chunks, D, row0, u_idx, i_idx, utab, itab, out, *scr):
    wid = lax.axis_index("s") * _NC + lax.axis_index("c")
    base = wid * (n_chunks * _CHUNK)
    uidx_v, iidx_v = scr[0], scr[1]
    n = n_chunks
    ubuf = scr[2:2 + n]
    ibuf = scr[2 + n:2 + 2 * n]
    ugs = scr[2 + 2 * n:2 + 3 * n]
    igs = scr[2 + 3 * n:2 + 4 * n]
    uss = scr[2 + 4 * n:2 + 5 * n]
    iss = scr[2 + 5 * n:2 + 6 * n]
    pltpu.sync_copy(u_idx.at[pl.ds(row0 + wid * n, n)], uidx_v)
    pltpu.sync_copy(i_idx.at[pl.ds(row0 + wid * n, n)], iidx_v)
    ug = [pltpu.async_copy(utab.at[uidx_v.at[c]], ubuf[c], ugs[c]) for c in range(n)]
    ig = [pltpu.async_copy(itab.at[iidx_v.at[c]], ibuf[c], igs[c]) for c in range(n)]
    ust, ist = [], []
    for c in range(n):
        off = base + c * _CHUNK
        ug[c].wait()
        ust.append(pltpu.async_copy(
            ubuf[c], out.at[pl.ds(off, _CHUNK), pl.ds(0, D)], uss[c]))
        ig[c].wait()
        ist.append(pltpu.async_copy(
            ibuf[c], out.at[pl.ds(off, _CHUNK), pl.ds(D, D)], iss[c]))
    for c in range(n):
        ust[c].wait()
        ist[c].wait()


@functools.partial(jax.jit, static_argnums=(4, 5))
def _gather(user, item, user_table, item_table, chunk, n_pipe):
    B = user.shape[0] // n_pipe
    D = user_table.shape[1]
    assert B % (_NW * _CHUNK) == 0
    n_chunks = B // (_NW * _CHUNK)
    row0 = chunk * (B // _CHUNK)
    mesh = plsc.VectorSubcoreMesh(core_axis_name="c", subcore_axis_name="s")
    k = pl.kernel(
        functools.partial(_gather_body, n_chunks, D, row0),
        out_type=jax.ShapeDtypeStruct((B, 2 * D), jnp.float32),
        mesh=mesh,
        scratch_types=[
            pltpu.VMEM((n_chunks, _CHUNK), jnp.int32),
            pltpu.VMEM((n_chunks, _CHUNK), jnp.int32),
        ] + [pltpu.VMEM((_CHUNK, D), jnp.float32)] * (2 * n_chunks)
          + [pltpu.SemaphoreType.DMA] * (4 * n_chunks),
    )
    return k(user.reshape(-1, _CHUNK), item.reshape(-1, _CHUNK),
             user_table, item_table)


def _mlp_body(x_ref, w1_ref, b1_ref, w2_ref, b2_ref,
              w3_ref, b3_ref, wp_ref, bp_ref, out_ref):
    f32, bf16 = jnp.float32, jnp.bfloat16
    h = lax.dot_general(w1_ref[...].astype(bf16), x_ref[...].astype(bf16),
                        dimension_numbers=(((0,), (1,)), ((), ())),
                        preferred_element_type=f32)
    h = jnp.maximum(h + b1_ref[...], 0.0).astype(bf16)
    h = lax.dot_general(w2_ref[...].astype(bf16), h,
                        dimension_numbers=(((0,), (0,)), ((), ())),
                        preferred_element_type=f32)
    h = jnp.maximum(h + b2_ref[...], 0.0).astype(bf16)
    h = lax.dot_general(w3_ref[...].astype(bf16), h,
                        dimension_numbers=(((0,), (0,)), ((), ())),
                        preferred_element_type=f32)
    h = jnp.maximum(h + b3_ref[...], 0.0).astype(bf16)
    logit = lax.dot_general(wp_ref[...].astype(bf16), h,
                            dimension_numbers=(((0,), (0,)), ((), ())),
                            preferred_element_type=f32)
    out_ref[...] = jax.nn.sigmoid(logit + bp_ref[...]).reshape(1, 1, -1)


def _mlp(x_emb, W1, b1, W2, b2, W3, b3, Wp, bp, blk, interpret=False):
    B, D2 = x_emb.shape
    H1 = W1.shape[1]
    H2 = W2.shape[1]
    H3 = W3.shape[1]
    nb = B // blk
    const = lambda shape: pl.BlockSpec(shape, lambda b: (0,) * len(shape))
    out = pl.pallas_call(
        _mlp_body,
        grid=(nb,),
        in_specs=[
            pl.BlockSpec((blk, D2), lambda b: (b, 0)),
            const((D2, H1)),
            const((H1, 1)),
            const((H1, H2)),
            const((H2, 1)),
            const((H2, H3)),
            const((H3, 1)),
            const((H3, 1)),
            const((1, 1)),
        ],
        out_specs=pl.BlockSpec((1, 1, blk), lambda b: (b, 0, 0)),
        out_shape=jax.ShapeDtypeStruct((nb, 1, blk), jnp.float32),
        interpret=interpret,
    )(x_emb, W1, b1, W2, b2, W3, b3, Wp, bp)
    return out.reshape(B)


_N_PIPE = 2


def kernel(user, item, user_table, item_table, W1, b1, W2, b2, W3, b3, Wp, bp):
    B = user.shape[0]
    user = user.astype(jnp.int32)
    item = item.astype(jnp.int32)
    embs = [_gather(user, item, user_table, item_table, c, _N_PIPE)
            for c in range(_N_PIPE)]
    outs = [_mlp(x_e, W1, b1.reshape(-1, 1), W2, b2.reshape(-1, 1),
                 W3, b3.reshape(-1, 1), Wp, bp.reshape(1, 1), blk=4096)
            for x_e in embs]
    return jnp.concatenate(outs)

# --- scband reference (transcript-rebuilt; emitter-appended) ---
"""Pipeline reference for scband-ncf-39230231282077 (READ-ONLY COPY).

The authoritative reference and input builder live on the scoring server;
editing this copy changes nothing except your own understanding.
"""

import jax, jax.numpy as jnp
import numpy as np

B = 16384
NUM_USERS = 100000
NUM_ITEMS = 1000000
D = 128


def setup_inputs(seed: int = 0) -> dict:
    key = jax.random.key(seed)
    ks = jax.random.split(key, 12)
    user = jax.random.randint(ks[0], (B,), 0, NUM_USERS, dtype=jnp.int64 if jax.config.jax_enable_x64 else jnp.int32)
    item = jax.random.randint(ks[1], (B,), 0, NUM_ITEMS, dtype=jnp.int64 if jax.config.jax_enable_x64 else jnp.int32)
    user_table = jax.random.normal(ks[2], (NUM_USERS, D), dtype=jnp.float32) * 0.02
    item_table = jax.random.normal(ks[3], (NUM_ITEMS, D), dtype=jnp.float32) * 0.02
    W1 = jax.random.normal(ks[4], (2 * D, 512), dtype=jnp.float32) * (1.0 / np.sqrt(2 * D))
    b1 = jnp.zeros((512,), dtype=jnp.float32)
    W2 = jax.random.normal(ks[5], (512, 256), dtype=jnp.float32) * (1.0 / np.sqrt(512))
    b2 = jnp.zeros((256,), dtype=jnp.float32)
    W3 = jax.random.normal(ks[6], (256, 128), dtype=jnp.float32) * (1.0 / np.sqrt(256))
    b3 = jnp.zeros((128,), dtype=jnp.float32)
    Wp = jax.random.normal(ks[7], (128, 1), dtype=jnp.float32) * (1.0 / np.sqrt(128))
    bp = jnp.zeros((1,), dtype=jnp.float32)
    return {"user": user, "item": item, "user_table": user_table, "item_table": item_table,
            "W1": W1, "b1": b1, "W2": W2, "b2": b2, "W3": W3, "b3": b3, "Wp": Wp, "bp": bp}


def reference(user, item, user_table, item_table, W1, b1, W2, b2, W3, b3, Wp, bp):
    user_embed = jnp.take(user_table, user, axis=0)
    item_embed = jnp.take(item_table, item, axis=0)
    x = jnp.concatenate([user_embed, item_embed], axis=-1)
    x = jax.nn.relu(x @ W1 + b1)
    x = jax.nn.relu(x @ W2 + b2)
    x = jax.nn.relu(x @ W3 + b3)
    prediction = jax.nn.sigmoid(x @ Wp + bp)
    return jnp.squeeze(prediction, axis=-1)

if __name__ == "__main__":
    import jax
    _d = setup_inputs()
    print(jax.jit(kernel)(*tuple(_d.values())))

</pallas_src>

<mosaic_0001>
#map = affine_map<(d0, d1) -> (0, 0)>
module attributes {stable_mosaic.version = 14 : i64} {
  func.func @_gather_body(%arg0: i32, %arg1: i32, %arg2: memref<128x128xi32, #tpu.memory_space<hbm>>, %arg3: memref<128x128xi32, #tpu.memory_space<hbm>>, %arg4: memref<100000x128xf32, #tpu.memory_space<hbm>>, %arg5: memref<1000000x128xf32, #tpu.memory_space<hbm>>, %arg6: memref<8192x256xf32, #tpu.memory_space<hbm>>, %arg7: memref<2x128xi32, #tpu.memory_space<vmem>>, %arg8: memref<2x128xi32, #tpu.memory_space<vmem>>, %arg9: memref<128x128xf32, #tpu.memory_space<vmem>>, %arg10: memref<128x128xf32, #tpu.memory_space<vmem>>, %arg11: memref<128x128xf32, #tpu.memory_space<vmem>>, %arg12: memref<128x128xf32, #tpu.memory_space<vmem>>, %arg13: memref<!tpu.dma_semaphore, #tpu.memory_space<semaphore_mem>>, %arg14: memref<!tpu.dma_semaphore, #tpu.memory_space<semaphore_mem>>, %arg15: memref<!tpu.dma_semaphore, #tpu.memory_space<semaphore_mem>>, %arg16: memref<!tpu.dma_semaphore, #tpu.memory_space<semaphore_mem>>, %arg17: memref<!tpu.dma_semaphore, #tpu.memory_space<semaphore_mem>>, %arg18: memref<!tpu.dma_semaphore, #tpu.memory_space<semaphore_mem>>, %arg19: memref<!tpu.dma_semaphore, #tpu.memory_space<semaphore_mem>>, %arg20: memref<!tpu.dma_semaphore, #tpu.memory_space<semaphore_mem>>) attributes {dimension_semantics = [#tpu.dimension_semantics<core_parallel>, #tpu.dimension_semantics<subcore_parallel>], iteration_bounds = array<i64: 2, 16>, scalar_prefetch = 0 : i64, scratch_operands = 14 : i64, tpu.core_type = #tpu.core_type<sc_vector_subcore>, window_params = [{transform_indices = #map}, {transform_indices = #map}, {transform_indices = #map}, {transform_indices = #map}, {transform_indices = #map}]} {
    %mul3A = arith.constant 2 : i32
    %mul3A_0 = arith.muli %arg1, %mul3A : i32
    %add3A = arith.addi %mul3A_0, %arg0 : i32
    %mul3A_1 = arith.constant 256 : i32
    %mul3A_2 = arith.muli %add3A, %mul3A_1 : i32
    %mul3A_3 = arith.constant 2 : i32
    %mul3A_4 = arith.muli %add3A, %mul3A_3 : i32
    %add3A_5 = arith.constant 0 : i32
    %add3A_6 = arith.addi %add3A_5, %mul3A_4 : i32
    "tpu.region"() ({
      %run_scoped3A = tpu.sem_alloc : memref<!tpu.dma_semaphore, #tpu.memory_space<semaphore_mem>>
      %dma_start3A_101 = arith.constant 0 : i32
      %dma_start3A_102 = tpu.memref_slice %arg2[%add3A_6, %dma_start3A_101] : memref<128x128xi32, #tpu.memory_space<hbm>> -> memref<2x128xi32, #tpu.memory_space<hbm>>
      %dma_start3A_103 = arith.constant 0 : i32
      %dma_start3A_104 = tpu.memref_slice %arg2[%add3A_6, %dma_start3A_103] : memref<128x128xi32, #tpu.memory_space<hbm>> -> memref<2x128xi32, #tpu.memory_space<hbm>>
      tpu.enqueue_dma source(%dma_start3A_104 : memref<2x128xi32, #tpu.memory_space<hbm>>) target(%arg7 : memref<2x128xi32, #tpu.memory_space<vmem>>) target_semaphore(%run_scoped3A : memref<!tpu.dma_semaphore, #tpu.memory_space<semaphore_mem>>)
      %dma_wait3A_105 = arith.constant 0 : i32
      %dma_wait3A_106 = tpu.memref_slice %arg2[%add3A_6, %dma_wait3A_105] : memref<128x128xi32, #tpu.memory_space<hbm>> -> memref<2x128xi32, #tpu.memory_space<hbm>>
      %dma_wait3A_107 = arith.constant 0 : i32
      %dma_wait3A_108 = tpu.memref_slice %arg2[%add3A_6, %dma_wait3A_107] : memref<128x128xi32, #tpu.memory_space<hbm>> -> memref<2x128xi32, #tpu.memory_space<hbm>>
      tpu.wait_dma2 semaphore(%run_scoped3A : memref<!tpu.dma_semaphore, #tpu.memory_space<semaphore_mem>>) src(%dma_wait3A_108 : memref<2x128xi32, #tpu.memory_space<hbm>>) dst(%arg7 : memref<2x128xi32, #tpu.memory_space<vmem>>)
      tpu.yield
    }) : () -> ()
    %mul3A_7 = arith.constant 2 : i32
    %mul3A_8 = arith.muli %add3A, %mul3A_7 : i32
    %add3A_9 = arith.constant 0 : i32
    %add3A_10 = arith.addi %add3A_9, %mul3A_8 : i32
    "tpu.region"() ({
      %run_scoped3A = tpu.sem_alloc : memref<!tpu.dma_semaphore, #tpu.memory_space<semaphore_mem>>
      %dma_start3A_101 = arith.constant 0 : i32
      %dma_start3A_102 = tpu.memref_slice %arg3[%add3A_10, %dma_start3A_101] : memref<128x128xi32, #tpu.memory_space<hbm>> -> memref<2x128xi32, #tpu.memory_space<hbm>>
      %dma_start3A_103 = arith.constant 0 : i32
      %dma_start3A_104 = tpu.memref_slice %arg3[%add3A_10, %dma_start3A_103] : memref<128x128xi32, #tpu.memory_space<hbm>> -> memref<2x128xi32, #tpu.memory_space<hbm>>
      tpu.enqueue_dma source(%dma_start3A_104 : memref<2x128xi32, #tpu.memory_space<hbm>>) target(%arg8 : memref<2x128xi32, #tpu.memory_space<vmem>>) target_semaphore(%run_scoped3A : memref<!tpu.dma_semaphore, #tpu.memory_space<semaphore_mem>>)
      %dma_wait3A_105 = arith.constant 0 : i32
      %dma_wait3A_106 = tpu.memref_slice %arg3[%add3A_10, %dma_wait3A_105] : memref<128x128xi32, #tpu.memory_space<hbm>> -> memref<2x128xi32, #tpu.memory_space<hbm>>
      %dma_wait3A_107 = arith.constant 0 : i32
      %dma_wait3A_108 = tpu.memref_slice %arg3[%add3A_10, %dma_wait3A_107] : memref<128x128xi32, #tpu.memory_space<hbm>> -> memref<2x128xi32, #tpu.memory_space<hbm>>
      tpu.wait_dma2 semaphore(%run_scoped3A : memref<!tpu.dma_semaphore, #tpu.memory_space<semaphore_mem>>) src(%dma_wait3A_108 : memref<2x128xi32, #tpu.memory_space<hbm>>) dst(%arg8 : memref<2x128xi32, #tpu.memory_space<vmem>>)
      tpu.yield
    }) : () -> ()
    %dma_start3A = arith.constant 0 : i32
    %dma_start3A_11 = arith.constant 0 : i32
    %dma_start3A_12 = tpu.memref_slice %arg7[%dma_start3A, %dma_start3A_11] : memref<2x128xi32, #tpu.memory_space<vmem>> -> memref<1x128xi32, #tpu.memory_space<vmem>>
    %dma_start3A_13 = tpu.memref_squeeze %dma_start3A_12 : memref<1x128xi32, #tpu.memory_space<vmem>> -> memref<128xi32, #tpu.memory_space<vmem>>
    %dma_start3A_14 = arith.constant 0 : i32
    %dma_start3A_15 = arith.constant 0 : i32
    %dma_start3A_16 = tpu.memref_slice %arg4[%dma_start3A_14, %dma_start3A_15] : memref<100000x128xf32, #tpu.memory_space<hbm>> -> memref<100000x128xf32, #tpu.memory_space<hbm>>
    tpu.enqueue_indirect_dma source(%dma_start3A_16 : memref<100000x128xf32, #tpu.memory_space<hbm>>) target(%arg9 : memref<128x128xf32, #tpu.memory_space<vmem>>) offsets(%dma_start3A_13 : memref<128xi32, #tpu.memory_space<vmem>>) semaphore(%arg13 : memref<!tpu.dma_semaphore, #tpu.memory_space<semaphore_mem>>)
    %dma_start3A_17 = arith.constant 1 : i32
    %dma_start3A_18 = arith.constant 0 : i32
    %dma_start3A_19 = tpu.memref_slice %arg7[%dma_start3A_17, %dma_start3A_18] : memref<2x128xi32, #tpu.memory_space<vmem>> -> memref<1x128xi32, #tpu.memory_space<vmem>>
    %dma_start3A_20 = tpu.memref_squeeze %dma_start3A_19 : memref<1x128xi32, #tpu.memory_space<vmem>> -> memref<128xi32, #tpu.memory_space<vmem>>
    %dma_start3A_21 = arith.constant 0 : i32
    %dma_start3A_22 = arith.constant 0 : i32
    %dma_start3A_23 = tpu.memref_slice %arg4[%dma_start3A_21, %dma_start3A_22] : memref<100000x128xf32, #tpu.memory_space<hbm>> -> memref<100000x128xf32, #tpu.memory_space<hbm>>
    tpu.enqueue_indirect_dma source(%dma_start3A_23 : memref<100000x128xf32, #tpu.memory_space<hbm>>) target(%arg10 : memref<128x128xf32, #tpu.memory_space<vmem>>) offsets(%dma_start3A_20 : memref<128xi32, #tpu.memory_space<vmem>>) semaphore(%arg14 : memref<!tpu.dma_semaphore, #tpu.memory_space<semaphore_mem>>)
    %dma_start3A_24 = arith.constant 0 : i32
    %dma_start3A_25 = arith.constant 0 : i32
    %dma_start3A_26 = tpu.memref_slice %arg8[%dma_start3A_24, %dma_start3A_25] : memref<2x128xi32, #tpu.memory_space<vmem>> -> memref<1x128xi32, #tpu.memory_space<vmem>>
    %dma_start3A_27 = tpu.memref_squeeze %dma_start3A_26 : memref<1x128xi32, #tpu.memory_space<vmem>> -> memref<128xi32, #tpu.memory_space<vmem>>
    %dma_start3A_28 = arith.constant 0 : i32
    %dma_start3A_29 = arith.constant 0 : i32
    %dma_start3A_30 = tpu.memref_slice %arg5[%dma_start3A_28, %dma_start3A_29] : memref<1000000x128xf32, #tpu.memory_space<hbm>> -> memref<1000000x128xf32, #tpu.memory_space<hbm>>
    tpu.enqueue_indirect_dma source(%dma_start3A_30 : memref<1000000x128xf32, #tpu.memory_space<hbm>>) target(%arg11 : memref<128x128xf32, #tpu.memory_space<vmem>>) offsets(%dma_start3A_27 : memref<128xi32, #tpu.memory_space<vmem>>) semaphore(%arg15 : memref<!tpu.dma_semaphore, #tpu.memory_space<semaphore_mem>>)
    %dma_start3A_31 = arith.constant 1 : i32
    %dma_start3A_32 = arith.constant 0 : i32
    %dma_start3A_33 = tpu.memref_slice %arg8[%dma_start3A_31, %dma_start3A_32] : memref<2x128xi32, #tpu.memory_space<vmem>> -> memref<1x128xi32, #tpu.memory_space<vmem>>
    %dma_start3A_34 = tpu.memref_squeeze %dma_start3A_33 : memref<1x128xi32, #tpu.memory_space<vmem>> -> memref<128xi32, #tpu.memory_space<vmem>>
    %dma_start3A_35 = arith.constant 0 : i32
    %dma_start3A_36 = arith.constant 0 : i32
    %dma_start3A_37 = tpu.memref_slice %arg5[%dma_start3A_35, %dma_start3A_36] : memref<1000000x128xf32, #tpu.memory_space<hbm>> -> memref<1000000x128xf32, #tpu.memory_space<hbm>>
    tpu.enqueue_indirect_dma source(%dma_start3A_37 : memref<1000000x128xf32, #tpu.memory_space<hbm>>) target(%arg12 : memref<128x128xf32, #tpu.memory_space<vmem>>) offsets(%dma_start3A_34 : memref<128xi32, #tpu.memory_space<vmem>>) semaphore(%arg16 : memref<!tpu.dma_semaphore, #tpu.memory_space<semaphore_mem>>)
    %add3A_38 = arith.constant 0 : i32
    %add3A_39 = arith.addi %mul3A_2, %add3A_38 : i32
    %dma_wait3A = arith.constant 0 : i32
    %dma_wait3A_40 = arith.constant 0 : i32
    %dma_wait3A_41 = tpu.memref_slice %arg7[%dma_wait3A, %dma_wait3A_40] : memref<2x128xi32, #tpu.memory_space<vmem>> -> memref<1x128xi32, #tpu.memory_space<vmem>>
    %dma_wait3A_42 = tpu.memref_squeeze %dma_wait3A_41 : memref<1x128xi32, #tpu.memory_space<vmem>> -> memref<128xi32, #tpu.memory_space<vmem>>
    %dma_wait3A_43 = arith.constant 0 : i32
    %dma_wait3A_44 = arith.constant 0 : i32
    %dma_wait3A_45 = tpu.memref_slice %arg4[%dma_wait3A_43, %dma_wait3A_44] : memref<100000x128xf32, #tpu.memory_space<hbm>> -> memref<100000x128xf32, #tpu.memory_space<hbm>>
    tpu.wait_indirect_dma semaphore(%arg13 : memref<!tpu.dma_semaphore, #tpu.memory_space<semaphore_mem>>) src(%dma_wait3A_45 : memref<100000x128xf32, #tpu.memory_space<hbm>>) dst(%arg9 : memref<128x128xf32, #tpu.memory_space<vmem>>)
    %dma_start3A_46 = arith.constant 0 : i32
    %dma_start3A_47 = tpu.memref_slice %arg6[%add3A_39, %dma_start3A_46] : memref<8192x256xf32, #tpu.memory_space<hbm>> -> memref<128x128xf32, #tpu.memory_space<hbm>>
    %dma_start3A_48 = arith.constant 0 : i32
    %dma_start3A_49 = tpu.memref_slice %arg6[%add3A_39, %dma_start3A_48] : memref<8192x256xf32, #tpu.memory_space<hbm>> -> memref<128x128xf32, #tpu.memory_space<hbm>>
    tpu.enqueue_dma source(%arg9 : memref<128x128xf32, #tpu.memory_space<vmem>>) target(%dma_start3A_49 : memref<128x128xf32, #tpu.memory_space<hbm>>) target_semaphore(%arg17 : memref<!tpu.dma_semaphore, #tpu.memory_space<semaphore_mem>>)
    %dma_wait3A_50 = arith.constant 0 : i32
    %dma_wait3A_51 = arith.constant 0 : i32
    %dma_wait3A_52 = tpu.memref_slice %arg8[%dma_wait3A_50, %dma_wait3A_51] : memref<2x128xi32, #tpu.memory_space<vmem>> -> memref<1x128xi32, #tpu.memory_space<vmem>>
    %dma_wait3A_53 = tpu.memref_squeeze %dma_wait3A_52 : memref<1x128xi32, #tpu.memory_space<vmem>> -> memref<128xi32, #tpu.memory_space<vmem>>
    %dma_wait3A_54 = arith.constant 0 : i32
    %dma_wait3A_55 = arith.constant 0 : i32
    %dma_wait3A_56 = tpu.memref_slice %arg5[%dma_wait3A_54, %dma_wait3A_55] : memref<1000000x128xf32, #tpu.memory_space<hbm>> -> memref<1000000x128xf32, #tpu.memory_space<hbm>>
    tpu.wait_indirect_dma semaphore(%arg15 : memref<!tpu.dma_semaphore, #tpu.memory_space<semaphore_mem>>) src(%dma_wait3A_56 : memref<1000000x128xf32, #tpu.memory_space<hbm>>) dst(%arg11 : memref<128x128xf32, #tpu.memory_space<vmem>>)
    %dma_start3A_57 = arith.constant 128 : i32
    %dma_start3A_58 = tpu.memref_slice %arg6[%add3A_39, %dma_start3A_57] : memref<8192x256xf32, #tpu.memory_space<hbm>> -> memref<128x128xf32, #tpu.memory_space<hbm>>
    %dma_start3A_59 = arith.constant 128 : i32
    %dma_start3A_60 = tpu.memref_slice %arg6[%add3A_39, %dma_start3A_59] : memref<8192x256xf32, #tpu.memory_space<hbm>> -> memref<128x128xf32, #tpu.memory_space<hbm>>
    tpu.enqueue_dma source(%arg11 : memref<128x128xf32, #tpu.memory_space<vmem>>) target(%dma_start3A_60 : memref<128x128xf32, #tpu.memory_space<hbm>>) target_semaphore(%arg19 : memref<!tpu.dma_semaphore, #tpu.memory_space<semaphore_mem>>)
    %add3A_61 = arith.constant 128 : i32
    %add3A_62 = arith.addi %mul3A_2, %add3A_61 : i32
    %dma_wait3A_63 = arith.constant 1 : i32
    %dma_wait3A_64 = arith.constant 0 : i32
    %dma_wait3A_65 = tpu.memref_slice %arg7[%dma_wait3A_63, %dma_wait3A_64] : memref<2x128xi32, #tpu.memory_space<vmem>> -> memref<1x128xi32, #tpu.memory_space<vmem>>
    %dma_wait3A_66 = tpu.memref_squeeze %dma_wait3A_65 : memref<1x128xi32, #tpu.memory_space<vmem>> -> memref<128xi32, #tpu.memory_space<vmem>>
    %dma_wait3A_67 = arith.constant 0 : i32
    %dma_wait3A_68 = arith.constant 0 : i32
    %dma_wait3A_69 = tpu.memref_slice %arg4[%dma_wait3A_67, %dma_wait3A_68] : memref<100000x128xf32, #tpu.memory_space<hbm>> -> memref<100000x128xf32, #tpu.memory_space<hbm>>
    tpu.wait_indirect_dma semaphore(%arg14 : memref<!tpu.dma_semaphore, #tpu.memory_space<semaphore_mem>>) src(%dma_wait3A_69 : memref<100000x128xf32, #tpu.memory_space<hbm>>) dst(%arg10 : memref<128x128xf32, #tpu.memory_space<vmem>>)
    %dma_start3A_70 = arith.constant 0 : i32
    %dma_start3A_71 = tpu.memref_slice %arg6[%add3A_62, %dma_start3A_70] : memref<8192x256xf32, #tpu.memory_space<hbm>> -> memref<128x128xf32, #tpu.memory_space<hbm>>
    %dma_start3A_72 = arith.constant 0 : i32
    %dma_start3A_73 = tpu.memref_slice %arg6[%add3A_62, %dma_start3A_72] : memref<8192x256xf32, #tpu.memory_space<hbm>> -> memref<128x128xf32, #tpu.memory_space<hbm>>
    tpu.enqueue_dma source(%arg10 : memref<128x128xf32, #tpu.memory_space<vmem>>) target(%dma_start3A_73 : memref<128x128xf32, #tpu.memory_space<hbm>>) target_semaphore(%arg18 : memref<!tpu.dma_semaphore, #tpu.memory_space<semaphore_mem>>)
    %dma_wait3A_74 = arith.constant 1 : i32
    %dma_wait3A_75 = arith.constant 0 : i32
    %dma_wait3A_76 = tpu.memref_slice %arg8[%dma_wait3A_74, %dma_wait3A_75] : memref<2x128xi32, #tpu.memory_space<vmem>> -> memref<1x128xi32, #tpu.memory_space<vmem>>
    %dma_wait3A_77 = tpu.memref_squeeze %dma_wait3A_76 : memref<1x128xi32, #tpu.memory_space<vmem>> -> memref<128xi32, #tpu.memory_space<vmem>>
    %dma_wait3A_78 = arith.constant 0 : i32
    %dma_wait3A_79 = arith.constant 0 : i32
    %dma_wait3A_80 = tpu.memref_slice %arg5[%dma_wait3A_78, %dma_wait3A_79] : memref<1000000x128xf32, #tpu.memory_space<hbm>> -> memref<1000000x128xf32, #tpu.memory_space<hbm>>
    tpu.wait_indirect_dma semaphore(%arg16 : memref<!tpu.dma_semaphore, #tpu.memory_space<semaphore_mem>>) src(%dma_wait3A_80 : memref<1000000x128xf32, #tpu.memory_space<hbm>>) dst(%arg12 : memref<128x128xf32, #tpu.memory_space<vmem>>)
    %dma_start3A_81 = arith.constant 128 : i32
    %dma_start3A_82 = tpu.memref_slice %arg6[%add3A_62, %dma_start3A_81] : memref<8192x256xf32, #tpu.memory_space<hbm>> -> memref<128x128xf32, #tpu.memory_space<hbm>>
    %dma_start3A_83 = arith.constant 128 : i32
    %dma_start3A_84 = tpu.memref_slice %arg6[%add3A_62, %dma_start3A_83] : memref<8192x256xf32, #tpu.memory_space<hbm>> -> memref<128x128xf32, #tpu.memory_space<hbm>>
    tpu.enqueue_dma source(%arg12 : memref<128x128xf32, #tpu.memory_space<vmem>>) target(%dma_start3A_84 : memref<128x128xf32, #tpu.memory_space<hbm>>) target_semaphore(%arg20 : memref<!tpu.dma_semaphore, #tpu.memory_space<semaphore_mem>>)
    %dma_wait3A_85 = arith.constant 0 : i32
    %dma_wait3A_86 = tpu.memref_slice %arg6[%add3A_39, %dma_wait3A_85] : memref<8192x256xf32, #tpu.memory_space<hbm>> -> memref<128x128xf32, #tpu.memory_space<hbm>>
    %dma_wait3A_87 = arith.constant 0 : i32
    %dma_wait3A_88 = tpu.memref_slice %arg6[%add3A_39, %dma_wait3A_87] : memref<8192x256xf32, #tpu.memory_space<hbm>> -> memref<128x128xf32, #tpu.memory_space<hbm>>
    tpu.wait_dma2 semaphore(%arg17 : memref<!tpu.dma_semaphore, #tpu.memory_space<semaphore_mem>>) src(%arg9 : memref<128x128xf32, #tpu.memory_space<vmem>>) dst(%dma_wait3A_88 : memref<128x128xf32, #tpu.memory_space<hbm>>)
    %dma_wait3A_89 = arith.constant 128 : i32
    %dma_wait3A_90 = tpu.memref_slice %arg6[%add3A_39, %dma_wait3A_89] : memref<8192x256xf32, #tpu.memory_space<hbm>> -> memref<128x128xf32, #tpu.memory_space<hbm>>
    %dma_wait3A_91 = arith.constant 128 : i32
    %dma_wait3A_92 = tpu.memref_slice %arg6[%add3A_39, %dma_wait3A_91] : memref<8192x256xf32, #tpu.memory_space<hbm>> -> memref<128x128xf32, #tpu.memory_space<hbm>>
    tpu.wait_dma2 semaphore(%arg19 : memref<!tpu.dma_semaphore, #tpu.memory_space<semaphore_mem>>) src(%arg11 : memref<128x128xf32, #tpu.memory_space<vmem>>) dst(%dma_wait3A_92 : memref<128x128xf32, #tpu.memory_space<hbm>>)
    %dma_wait3A_93 = arith.constant 0 : i32
    %dma_wait3A_94 = tpu.memref_slice %arg6[%add3A_62, %dma_wait3A_93] : memref<8192x256xf32, #tpu.memory_space<hbm>> -> memref<128x128xf32, #tpu.memory_space<hbm>>
    %dma_wait3A_95 = arith.constant 0 : i32
    %dma_wait3A_96 = tpu.memref_slice %arg6[%add3A_62, %dma_wait3A_95] : memref<8192x256xf32, #tpu.memory_space<hbm>> -> memref<128x128xf32, #tpu.memory_space<hbm>>
    tpu.wait_dma2 semaphore(%arg18 : memref<!tpu.dma_semaphore, #tpu.memory_space<semaphore_mem>>) src(%arg10 : memref<128x128xf32, #tpu.memory_space<vmem>>) dst(%dma_wait3A_96 : memref<128x128xf32, #tpu.memory_space<hbm>>)
    %dma_wait3A_97 = arith.constant 128 : i32
    %dma_wait3A_98 = tpu.memref_slice %arg6[%add3A_62, %dma_wait3A_97] : memref<8192x256xf32, #tpu.memory_space<hbm>> -> memref<128x128xf32, #tpu.memory_space<hbm>>
    %dma_wait3A_99 = arith.constant 128 : i32
    %dma_wait3A_100 = tpu.memref_slice %arg6[%add3A_62, %dma_wait3A_99] : memref<8192x256xf32, #tpu.memory_space<hbm>> -> memref<128x128xf32, #tpu.memory_space<hbm>>
    tpu.wait_dma2 semaphore(%arg20 : memref<!tpu.dma_semaphore, #tpu.memory_space<semaphore_mem>>) src(%arg12 : memref<128x128xf32, #tpu.memory_space<vmem>>) dst(%dma_wait3A_100 : memref<128x128xf32, #tpu.memory_space<hbm>>)
    return
  }
}

</mosaic_0001>

<sc_bundles>
// kernel: _gather.3.cloned.1.call-start
scs
__scs_entry_jumppad:
0x0: {  	(pc) =	sbr.rel $0x88, $3  }
0x1: {  	(tag) =	ssettag $0x0;
	lr =	simm.s32 $0x1  }
0x2: {  	[smem:$0x3F9D] =	sst lr;
	_ =	strace $0xD0000000  }
0x3: {  	_ = 	snop  }
0x4: {  	_ = 	snop  }
0x5: {  	_ = 	snop  }
0x6: {  	_ = 	snop  }
0x7: {  	_ = 	snop  }
__scs_overlays_trampoline_lowered:
0x8: {  	[smem:$0x3FAC] =	sst s0  }
0x9: {  	[smem:$0x3FAD] =	sst s1  }
0xa: {  	[smem:$0x3FAE] =	sst s2  }
0xb: {  	[smem:$0x3FAF] =	sst s3  }
0xc: {  	[smem:$0x3FB0] =	sst s4  }
0xd: {  	[smem:$0x3FB1] =	sst s5  }
0xe: {  	[smem:$0x3FB2] =	sst s6  }
0xf: {  	[smem:$0x3FB3] =	sst s7  }
0x10: {  	[smem:$0x3FB4] =	sst s8  }
0x11: {  	[smem:$0x3FB5] =	sst s9;
	s0 =	simm.s32 @!p0 $0x0  }
0x12: {  	s1 =	sld [smem:$0x3F9B];
	s0 =	simm.s32 @p0 $0x1  }
0x13: {  	[smem:$0x3FB6] =	sst s0;
	s0 =	simm.s32 @!p1 $0x0  }
0x14: {  	s2 =	sld [smem:$0x3F9A];
	s0 =	simm.s32 @p1 $0x1  }
0x15: {  	[smem:$0x3FB7] =	sst s0;
	s0 =	simm.s32 @!p2 $0x0  }
0x16: {  	s3 =	sld [smem:$0x3FDB];
	s0 =	simm.s32 @p2 $0x1  }
0x17: {  	s4 =	simm.s32 $0x1BF5;
	[smem:$0x3FB9] =	sst s0  }
0x18: {  	s0 =	sld [smem:$0x3F9C];
	_ =	swait.ge [sflag:s4], $0x0  }
0x19: {  	s7 =	sld [smem:$0x3F9D]  }
0x1a: {  	s8 =	sadd.s32 $0xFFFFE003, lr  }
0x1b: {  	s9 =	sadd.s32 $0xFFFFFEF7, lr;
	s5 =	simm.s32 $0xFFFFFFFF;
	p2 =	slt.u32 s8, $0xFFFFF086  }
0x1c: {  	p1 =	slt.u32 s9, $0xF7A;
	s5 =	simm.s32 @!p2 $0x0  }
0x1d: {  	s5 =	simm.s32 @p1 $0x1;
	p0 =	seq.s32 s7, s2  }
0x1e: {  	s7 =	smul.u32 @!p0 $0xF7A, s2;
	p2 =	seq.s32 @!p0 s5, $0x0  }
0x1f: {  	s9 =	smul.u32 $0xF7A, s1;
	s8 =	simm.s32 @!p0 $0x1BF5;
	p2 =	por !p2, p0  }
0x20: {  	[sflag:s8] =	ssyncset.s32 @!p0 $0xFFFFF086;
	s6 =	sadd.s32 @!p0 s3, s7;
	s7 =	simm.s32 @!p0 $0x108  }
0x21: {  	s3 =	sadd.s32 s3, s9;
	s6 =	sadd.s32 @!p0 $0x88, s6;
	s7 =	simm.s32 @p2 $0x1082  }
0x22: {  	[simem:s7], [sflag:s8] =	dma.local @!p0 [hbm:s6], $0xF7A  }
0x23: {  	s9 =	sor.u32 $0xD0000000, s2;
	s6 =	simm.s32 $0x108;
	_ =	swait.ge @!p0 [sflag:s8], $0x0  }
0x24: {  	s3 =	sadd.s32 $0x88, s3;
	s6 =	simm.s32 @!p1 $0x1082;
	[sflag:s4] =	ssyncset.s32 $0xFFFFF086  }
0x25: {  	[simem:s6], [sflag:s4] =	dma.local [hbm:s3], $0xF7A  }
0x26: {  	[smem:$0x3F9D] =	sst s1;
	(tag) =	ssettag s2;
	_ =	strace s9  }
0x27: {  	s1 =	sld [smem:$0x3FAD]  }
0x28: {  	s2 =	sld [smem:$0x3FAE]  }
0x29: {  	s4 =	sld [smem:$0x3FB0]  }
0x2a: {  	p0 =	seq.s32 s5, $0x0;
	s5 =	sld [smem:$0x3FB1]  }
0x2b: {  	s6 =	sld [smem:$0x3FB2]  }
0x2c: {  	s7 =	sld [smem:$0x3FB3]  }
0x2d: {  	s3 =	simm.s32 $0x108;
	s8 =	sld [smem:$0x3FB4]  }
0x2e: {  	s3 =	simm.s32 @!p0 $0x1082;
	s9 =	sld [smem:$0x3FB5]  }
0x2f: {  	lr =	sadd.s32 s0, s3;
	s0 =	sld [smem:$0x3FAC]  }
0x30: {  	s3 =	sld [smem:$0x3FAF]  }
0x31: {  	[smem:$0x3FB8] =	sst s10  }
0x32: {  	s10 =	sld [smem:$0x3FB6];
	_ =	sdelay $0x3  }
0x33: {  	p0 =	seq.s32 s10, $0x1;
	s10 =	sld [smem:$0x3FB8];
	_ =	sdelay $0x3  }
0x34: {  	[smem:$0x3FB8] =	sst s10  }
0x35: {  	s10 =	sld [smem:$0x3FB7];
	_ =	sdelay $0x3  }
0x36: {  	p1 =	seq.s32 s10, $0x1;
	s10 =	sld [smem:$0x3FB8];
	_ =	sdelay $0x3  }
0x37: {  	[smem:$0x3FB8] =	sst s10  }
0x38: {  	s10 =	sld [smem:$0x3FB9]  }
0x39: {  	_ = 	snop;
	(pc) =	sbr.ind lr, $3  }
0x3a: {  	_ = 	snop  }
0x3b: {  	_ = 	snop  }
0x3c: {  	p2 =	seq.s32 s10, $0x1;
	s10 =	sld [smem:$0x3FB8]  }
0x3d: {  	_ =	shalt  }
0x3e: {  	_ =	shalt  }
0x3f: {  	_ =	shalt  }
0x40: {  	_ =	shalt  }
0x41: {  	_ =	shalt  }
0x42: {  	_ =	shalt  }
0x43: {  	_ =	shalt  }
0x44: {  	_ =	shalt  }
0x45: {  	_ =	shalt  }
0x46: {  	_ =	shalt  }
0x47: {  	_ =	shalt  }
0x48: {  	_ =	shalt  }
0x49: {  	_ =	shalt  }
0x4a: {  	_ =	shalt  }
0x4b: {  	_ =	shalt  }
0x4c: {  	_ =	shalt  }
0x4d: {  	_ =	shalt  }
0x4e: {  	_ =	shalt  }
0x4f: {  	_ =	shalt  }
0x50: {  	_ =	shalt  }
0x51: {  	_ =	shalt  }
0x52: {  	_ =	shalt  }
0x53: {  	_ =	shalt  }
0x54: {  	_ =	shalt  }
0x55: {  	_ =	shalt  }
0x56: {  	_ =	shalt  }
0x57: {  	_ =	shalt  }
0x58: {  	_ =	shalt  }
0x59: {  	_ =	shalt  }
0x5a: {  	_ =	shalt  }
0x5b: {  	_ =	shalt  }
0x5c: {  	_ =	shalt  }
0x5d: {  	_ =	shalt  }
0x5e: {  	_ =	shalt  }
0x5f: {  	_ =	shalt  }
0x60: {  	_ =	shalt  }
0x61: {  	_ =	shalt  }
0x62: {  	_ =	shalt  }
0x63: {  	_ =	shalt  }
0x64: {  	_ =	shalt  }
0x65: {  	_ =	shalt  }
0x66: {  	_ =	shalt  }
0x67: {  	_ =	shalt  }
0x68: {  	_ =	shalt  }
0x69: {  	_ =	shalt  }
0x6a: {  	_ =	shalt  }
0x6b: {  	_ =	shalt  }
0x6c: {  	_ =	shalt  }
0x6d: {  	_ =	shalt  }
0x6e: {  	_ =	shalt  }
0x6f: {  	_ =	shalt  }
0x70: {  	_ =	shalt  }
0x71: {  	_ =	shalt  }
0x72: {  	_ =	shalt  }
0x73: {  	_ =	shalt  }
0x74: {  	_ =	shalt  }
0x75: {  	_ =	shalt  }
0x76: {  	_ =	shalt  }
0x77: {  	_ =	shalt  }
0x78: {  	_ =	shalt  }
0x79: {  	_ =	shalt  }
0x7a: {  	_ =	shalt  }
0x7b: {  	_ =	shalt  }
0x7c: {  	_ =	shalt  }
0x7d: {  	_ =	shalt  }
0x7e: {  	_ =	shalt  }
0x7f: {  	_ =	shalt  }
0x80: {  	_ =	shalt  }
0x81: {  	_ =	shalt  }
0x82: {  	_ =	shalt  }
0x83: {  	_ =	shalt  }
0x84: {  	_ =	shalt  }
0x85: {  	_ =	shalt  }
0x86: {  	_ =	shalt  }
0x87: {  	_ =	shalt  }
.Lfunc_end0:
.L_simem_size_0:
called_computation_lowered:
.L_overlay_start_0:
0x88: {  	s2 =	sld [smem:$0x3FD9]  }
0x89: {  	s3 =	sld [smem:$0x3FFE];
	_ =	sdelay $0x1  }
0x8a: {  	s1 =	srdreg.scid  }
0x8b: {  	s0 =	sand.u32 $0x1, s1  }
0x8c: {  	s18 =	sshll.u32 s0, $0xA;
	s2 =	sadd.s32 s3, s2  }
0x8d: {  	s2 =	sadd.s32 s2, s18  }
0x8e: {  	[smem:$0x3FC4] =	sst s2  }
0x8f: {  	_ = 	snop  }
0x90: {  	s2 =	sld [smem:$0x3FC9]  }
0x91: {  	s19 =	sld [smem:$0x3FC8]  }
0x92: {  	s4 =	sld [smem:$0x3FC7]  }
0x93: {  	s5 =	sld [smem:$0x3FC6]  }
0x94: {  	s6 =	sld [smem:$0x3FD0];
	(tm) =	ssettm $0x1  }
0x95: {  	s7 =	sld [smem:$0x3FFB];
	_ =	sdelay $0x3  }
0x96: {  	_ =	strace s7  }
0x97: {  	s7 =	sld [smem:$0x3FFC];
	_ =	sdelay $0x3  }
0x98: {  	_ =	strace s7  }
0x99: {  	s7 =	sld [smem:$0x3FFD];
	_ =	sdelay $0x3  }
0x9a: {  	_ =	strace s7  }
0x9b: {  	_ =	strace $0x8FFFFFFF  }
0x9c: {  	s20 =	sld [smem:$0x3FDB];
	_ =	sdelay $0x1  }
0x9d: {  	s8 =	simm.s32 $_scs_section_size  }
0x9e: {  	s9 =	simm.s32 $_size__tile_overlayer_lowered;
	s10 =	simm.s32 $_tile_overlayer_lowered  }
0x9f: {  	s23 =	simm.s32 $0x1BFF;
	s22 =	sshll.u32 s10, $0x1;
	s7 =	sadd.s32 s8, s20  }
0xa0: {  	s11 =	simm.s32 $0x0;
	s21 =	sshll.u32 s9, $0x1;
	s9 =	sadd.s32 s22, s7  }
0xa1: {  	[timem:s11], [sflag:s23] =	dma.local [hbm:s9], s21  }
0xa2: {  	_ =	swait.ge [sflag:s23], s21  }
0xa3: {  	s8 =	ssub.s32 $0x0, s21;
	[sflag:s23] =	ssyncset.done $0x0  }
0xa4: {  	[sflag:s23] =	ssyncadd.s32 s8;
	_ =	sdelay $0x1  }
0xa5: {  	s24 =	simm.s32 $0x1B8B  }
0xa6: {  	_ =	swait.ge [sflag:s24], $0x1  }
0xa7: {  	[sflag:s24] =	ssyncset.done $0x0  }
0xa8: {  	s25 =	simm.s32 $0x1B8E;
	[sflag:s24] =	ssyncadd.s32 $0xFFFFFFFF  }
0xa9: {  	s26 =	simm.s32 $execute0_lowered;
	[smem:$0x3FD2] =	sst s25  }
0xaa: {  	s8 =	sshll.u32 s26, $0x1;
	_ =	strace $0x80000046;
	[dreg:$0x1] =	wrdreg $0xFFFFFFFF  }
0xab: {  	s28 =	simm.s32 $_size_execute0_lowered;
	s7 =	sadd.s32 s7, s8;
	[dreg:$0x0] =	wrdreg $0x0  }
0xac: {  	s8 =	sshll.u32 s28, $0x1;
	[dreg:$0x2] =	wrdreg s7  }
0xad: {  	[dreg:$0x3] =	wrdreg s8  }
0xae: {  	[dreg:$0x4] =	wrdreg $0xC0  }
0xaf: {  	_ =	task [dreg:s11], $0x5FFFF  }
0xb0: {  	[dreg:$0x1] =	wrdreg $0xFFFFFFFF  }
0xb1: {  	[dreg:$0x0] =	wrdreg $0x60  }
0xb2: {  	[dreg:$0x2] =	wrdreg s2  }
0xb3: {  	[dreg:$0x3] =	wrdreg s19  }
0xb4: {  	[dreg:$0x4] =	wrdreg s4  }
0xb5: {  	[dreg:$0x5] =	wrdreg s5  }
0xb6: {  	[dreg:$0x6] =	wrdreg s6  }
0xb7: {  	[dreg:$0x7] =	wrdreg $0x9  }
0xb8: {  	_ =	task.clear_ibuf [dreg:s11], $0x8FFFF;
	_ =	strace $0x90000046  }
0xb9: {  	s29 =	simm.s32 $0x9;
	_ =	strace $0x80000048  }
0xba: {  	_ =	swait.ge [sflag:s29], $0x1  }
0xbb: {  	[sflag:s29] =	ssyncadd.s32 $0xFFFFFFFF  }
0xbc: {  	_ =	strace $0x90000048  }
0xbd: {  	_ =	sfence  }
0xbe: {  	s30 =	sld [smem:$0x0];
	_ =	sdelay $0x2  }
0xbf: {  	s31 =	sshll.u32 s1, $0xD;
	s1 =	sshrl.u32 s1, $0x2  }
0xc0: {  	s3 =	sand.u32 $0x4000, s31;
	s1 =	sadd.s32 s1, s30  }
0xc1: {  	s0 =	sor.u32 s3, s0;
	s1 =	sshll.u32 s1, $0x11  }
0xc2: {  	s0 =	sor.u32 s1, s0  }
0xc3: {  	s0 =	sadd.s32 $0x8F2B, s0  }
0xc4: {  	[sflag:s0] =	ssyncadd.remote.s32 $0x1  }
0xc5: {  	_ =	sfence.sel $0xFFFF  }
0xc6: {  	[dreg:$0x0] =	wrdreg $0xFFFFFFFF;
	(pc) =	sbr.abs _section_cstart, $3  }
0xc7: {  	[dreg:$0x1] =	wrdreg $0xFFFFFFFF  }
0xc8: {  	_ =	task.clear_ibuf [dreg:s11], $0x2FFFF;
	_ =	strace $0x9FFFFFFF  }
0xc9: {  	(tm) =	ssettm $0x7FFFFFFF  }
tec
execute0_lowered:
.L_overlay_start_1:
0x0: {  	(tag) =	ssettag $0x1  }
0x1: {  	s5 =	rddreg [dreg:$0x0]  }
0x2: {  	s7 =	rddreg [dreg:$0x1]  }
0x3: {  	s2 =	rddreg [dreg:$0x2]  }
0x4: {  	s3 =	rddreg [dreg:$0x3]  }
0x5: {  	s1 =	srdreg.scid;
	s0 =	stileid.u32  }
0x6: {  	s16 =	rddreg [dreg:$0x4];
	s28 =	sand.u32 $0x1, s1;
	s6 =	sshll.u32 s0, $0x1  }
0x7: {  	s4 =	simm.s32 $0x0;
	s1 =	rddreg [dreg:$0x5];
	s17 =	sor.u32 s28, s6  }
0x8: {  	[smem:$0x7FF] =	sst s4;
	s8 =	sshll.u32 s17, $0x5  }
0x9: {  	_ =	strace $0x80000047;
	s6 =	simm.s32 $0x9;
	s5 =	sadd.s32 s5, s8  }
0xa: {  	[tilespmem:s4], [sflag:$0x9] =	stream.linear.gather [hbm4b:s5+s4], $0x100, $0x38;
	[tilespmem:$0x10200] =	vst v63  }
0xb: {  	_ =	swait.ge [sflag:s6], $0x100  }
0xc: {  	[sflag:s6] =	ssyncset.done $0x0  }
0xd: {  	s7 =	sadd.s32 s7, s8;
	s8 =	simm.s32 $0x100;
	[sflag:s6] =	ssyncadd.s32 $0xFFFFFF00  }
0xe: {  	[tilespmem:s8], [sflag:$0x9] =	stream.linear.gather [hbm4b:s7+s4], $0x100, $0x38;
	[tilespmem:$0x10200] =	vst v63  }
0xf: {  	_ =	swait.ge [sflag:s6], $0x100  }
0x10: {  	[sflag:s6] =	ssyncset.done $0x0  }
0x11: {  	s9 =	simm.s32 $0x80;
	s10 =	simm.s32 $0x200;
	[sflag:s6] =	ssyncadd.s32 $0xFFFFFF00  }
0x12: {  	[tilespmem:s10], [sflag:$0x1] =	stream.indirect.gather [hbm4b:s2+s9], $0x80, s4, s9, $0xb8;
	[tilespmem:$0x10200] =	vst v63  }
0x13: {  	s11 =	simm.s32 $0x4200  }
0x14: {  	[tilespmem:s11], [sflag:$0x2] =	stream.indirect.gather [hbm4b:s2+s9], $0x80, s9, s9, $0xb8;
	[tilespmem:$0x10200] =	vst v63  }
0x15: {  	s12 =	simm.s32 $0x8200  }
0x16: {  	[tilespmem:s12], [sflag:$0x3] =	stream.indirect.gather [hbm4b:s3+s9], $0x80, s8, s9, $0xb8;
	[tilespmem:$0x10200] =	vst v63  }
0x17: {  	s13 =	simm.s32 $0x180;
	s14 =	simm.s32 $0xC200;
	s15 =	simm.s32 $0x1  }
0x18: {  	[tilespmem:s14], [sflag:$0x4] =	stream.indirect.gather [hbm4b:s3+s9], $0x80, s13, s9, $0xb8;
	[tilespmem:$0x10200] =	vst v63  }
0x19: {  	s18 =	simm.s32 $0x800;
	_ =	swait.ge [sflag:s15], $0x4000  }
0x1a: {  	s19 =	simm.s32 $0x3;
	s17 =	sshll.u32 s17, $0xD;
	[sflag:s15] =	ssyncset.done $0x0  }
0x1b: {  	s16 =	sadd.s32 s16, s17;
	s17 =	simm.s32 $0x400;
	[sflag:s15] =	ssyncadd.s32 $0xFFFFC000  }
0x1c: {  	[hbm4b:s16+s17] =	stream.strided.scatter [tilespmem:s10], [sflag:$0x5], $0x4000, s18, s17, $0x38;
	[tilespmem:$0x10200] =	vst v63  }
0x1d: {  	_ =	swait.ge [sflag:s19], $0x4000  }
0x1e: {  	[sflag:s19] =	ssyncset.done $0x0  }
0x1f: {  	s21 =	simm.s32 $0x2;
	s20 =	sadd.s32 $0x80, s16;
	[sflag:s19] =	ssyncadd.s32 $0xFFFFC000  }
0x20: {  	[hbm4b:s20+s17] =	stream.strided.scatter [tilespmem:s12], [sflag:$0x7], $0x4000, s18, s17, $0x38;
	[tilespmem:$0x10200] =	vst v63  }
0x21: {  	_ =	swait.ge [sflag:s21], $0x4000  }
0x22: {  	[sflag:s21] =	ssyncset.done $0x0  }
0x23: {  	s23 =	simm.s32 $0x4;
	s22 =	sadd.s32 $0x1000, s16;
	[sflag:s21] =	ssyncadd.s32 $0xFFFFC000  }
0x24: {  	[hbm4b:s22+s17] =	stream.strided.scatter [tilespmem:s11], [sflag:$0x6], $0x4000, s18, s17, $0x38;
	[tilespmem:$0x10200] =	vst v63  }
0x25: {  	_ =	swait.ge [sflag:s23], $0x4000  }
0x26: {  	[sflag:s23] =	ssyncset.done $0x0  }
0x27: {  	s25 =	simm.s32 $0x5;
	s24 =	sadd.s32 $0x1080, s16;
	[sflag:s23] =	ssyncadd.s32 $0xFFFFC000  }
0x28: {  	[hbm4b:s24+s17] =	stream.strided.scatter [tilespmem:s14], [sflag:$0x8], $0x4000, s18, s17, $0x38;
	[tilespmem:$0x10200] =	vst v63  }
0x29: {  	_ =	swait.ge [sflag:s25], $0x4000  }
0x2a: {  	s29 =	ssub.s32 $0x2, s28;
	[sflag:s25] =	ssyncset.done $0x0  }
0x2b: {  	s26 =	simm.s32 $0x7;
	s30 =	sshrl.u32 s29, $0x1;
	[sflag:s25] =	ssyncadd.s32 $0xFFFFC000  }
0x2c: {  	s29 =	ssub.s32 s29, s30;
	_ =	swait.ge [sflag:s26], $0x4000  }
0x2d: {  	s30 =	smax.u32 s29, $0x1;
	[sflag:s26] =	ssyncset.done $0x0  }
0x2e: {  	s28 =	simm.s32 $0x6;
	p0 =	sne.s32 s30, $0x1;
	[sflag:s26] =	ssyncadd.s32 $0xFFFFC000  }
.Ltmp0:
0x2f: {  	_ =	swait.ge [sflag:s28], $0x4000;
	(pc) =	sbr.rel @!p0 .LBB2_2-.Ltmp0, $4  }
0x30: {  	[sflag:s28] =	ssyncset.done $0x0  }
0x31: {  	s29 =	simm.s32 $0x8;
	[sflag:s28] =	ssyncadd.s32 $0xFFFFC000  }
0x32: {  	_ =	swait.ge [sflag:s29], $0x4000  }
0x33: {  	s30 =	sadd.s32 $0xFFFFFFFF, s30;
	[sflag:s29] =	ssyncset.done $0x0  }
.LBB2_1:
0x34: {  	p0 =	sne.s32 s30, $0x1;
	s30 =	sadd.s32 $0xFFFFFFFF, s30;
	[sflag:s29] =	ssyncadd.s32 $0xFFFFC000  }
0x35: {  	[tilespmem:s4], [sflag:$0x9] =	stream.linear.gather [hbm4b:s5+s4], $0x100, $0x38;
	[tilespmem:$0x10200] =	vst v63  }
0x36: {  	_ =	swait.ge [sflag:s6], $0x100  }
0x37: {  	[sflag:s6] =	ssyncset.done $0x0  }
0x38: {  	[sflag:s6] =	ssyncadd.s32 $0xFFFFFF00  }
0x39: {  	[tilespmem:s8], [sflag:$0x9] =	stream.linear.gather [hbm4b:s7+s4], $0x100, $0x38;
	[tilespmem:$0x10200] =	vst v63  }
0x3a: {  	_ =	swait.ge [sflag:s6], $0x100  }
0x3b: {  	[sflag:s6] =	ssyncset.done $0x0  }
0x3c: {  	[sflag:s6] =	ssyncadd.s32 $0xFFFFFF00  }
0x3d: {  	[tilespmem:s10], [sflag:$0x1] =	stream.indirect.gather [hbm4b:s2+s9], $0x80, s4, s9, $0xb8;
	[tilespmem:$0x10200] =	vst v63  }
0x3e: {  	_ = 	snop  }
0x3f: {  	[tilespmem:s11], [sflag:$0x2] =	stream.indirect.gather [hbm4b:s2+s9], $0x80, s9, s9, $0xb8;
	[tilespmem:$0x10200] =	vst v63  }
0x40: {  	_ = 	snop  }
0x41: {  	[tilespmem:s12], [sflag:$0x3] =	stream.indirect.gather [hbm4b:s3+s9], $0x80, s8, s9, $0xb8;
	[tilespmem:$0x10200] =	vst v63  }
0x42: {  	_ = 	snop  }
0x43: {  	[tilespmem:s14], [sflag:$0x4] =	stream.indirect.gather [hbm4b:s3+s9], $0x80, s13, s9, $0xb8;
	[tilespmem:$0x10200] =	vst v63  }
0x44: {  	_ =	swait.ge [sflag:s15], $0x4000  }
0x45: {  	[sflag:s15] =	ssyncset.done $0x0  }
0x46: {  	[sflag:s15] =	ssyncadd.s32 $0xFFFFC000  }
0x47: {  	[hbm4b:s16+s17] =	stream.strided.scatter [tilespmem:s10], [sflag:$0x5], $0x4000, s18, s17, $0x38;
	[tilespmem:$0x10200] =	vst v63  }
0x48: {  	_ =	swait.ge [sflag:s19], $0x4000  }
0x49: {  	[sflag:s19] =	ssyncset.done $0x0  }
0x4a: {  	[sflag:s19] =	ssyncadd.s32 $0xFFFFC000  }
0x4b: {  	[hbm4b:s20+s17] =	stream.strided.scatter [tilespmem:s12], [sflag:$0x7], $0x4000, s18, s17, $0x38;
	[tilespmem:$0x10200] =	vst v63  }
0x4c: {  	_ =	swait.ge [sflag:s21], $0x4000  }
0x4d: {  	[sflag:s21] =	ssyncset.done $0x0  }
0x4e: {  	[sflag:s21] =	ssyncadd.s32 $0xFFFFC000  }
0x4f: {  	[hbm4b:s22+s17] =	stream.strided.scatter [tilespmem:s11], [sflag:$0x6], $0x4000, s18, s17, $0x38;
	[tilespmem:$0x10200] =	vst v63  }
0x50: {  	_ =	swait.ge [sflag:s23], $0x4000  }
0x51: {  	[sflag:s23] =	ssyncset.done $0x0  }
0x52: {  	[sflag:s23] =	ssyncadd.s32 $0xFFFFC000  }
0x53: {  	[hbm4b:s24+s17] =	stream.strided.scatter [tilespmem:s14], [sflag:$0x8], $0x4000, s18, s17, $0x38;
	[tilespmem:$0x10200] =	vst v63  }
0x54: {  	_ =	swait.ge [sflag:s25], $0x4000  }
0x55: {  	[sflag:s25] =	ssyncset.done $0x0  }
0x56: {  	[sflag:s25] =	ssyncadd.s32 $0xFFFFC000  }
0x57: {  	_ =	swait.ge [sflag:s26], $0x4000  }
0x58: {  	[sflag:s26] =	ssyncset.done $0x0  }
0x59: {  	[sflag:s26] =	ssyncadd.s32 $0xFFFFC000  }
.Ltmp1:
0x5a: {  	_ =	swait.ge [sflag:s28], $0x4000;
	(pc) =	sbr.rel @p0 .LBB2_1-.Ltmp1, $4  }
0x5b: {  	[sflag:s28] =	ssyncset.done $0x0  }
0x5c: {  	[sflag:s28] =	ssyncadd.s32 $0xFFFFC000  }
0x5d: {  	_ =	swait.ge [sflag:s29], $0x4000  }
0x5e: {  	[sflag:s29] =	ssyncset.done $0x0  }
.LBB2_2:
0x5f: {  	[sflag:s29] =	ssyncadd.s32 $0xFFFFC000  }
0x60: {  	_ =	sfence.sel $0x180000  }
0x61: {  	[bflag:$0x0] =	sbarrier.arrive $0xFFFF  }
0x62: {  	p0 =	sne.s32 s0, $0x0;
	_ =	strace $0x90000047  }
0x63: {  	s0 =	sadd.s32 @!p0 $0x100000, s1;
	[bflag:$0x2] =	sbarrier.arrive $0xFFFF  }
0x64: {  	[sflag:s0] =	ssyncadd.tile.s32 @!p0 $0x1;
	_ =	shalt  }
.Lfunc_end2:
_tile_overlayer_lowered:
.L_overlay_start_2:
0x65: {  	(tag) =	ssettag $0x2  }
0x66: {  	s0 =	rddreg [dreg:$0x0];
	s2 =	stileid.u32  }
0x67: {  	s1 =	rddreg [dreg:$0x1];
	p0 =	sne.s32 s2, $0x0  }
0x68: {  	s3 =	rddreg [dreg:$0x2];
	[bflag:$0x3] =	sbarrier.arrive $0xFFFF;
	s2 =	simm.s32 @!p0 $0x1C09  }
0x69: {  	[timem:s3], [sflag:s2] =	dma.local @!p0 [hbm:s0], s1  }
0x6a: {  	s0 =	simm.s32 @!p0 $0x9  }
0x6b: {  	_ =	swait.ge @!p0 [sflag:s0], s1  }
0x6c: {  	s1 =	ssub.s32 @!p0 $0x0, s1;
	[sflag:s0] =	ssyncset.done @!p0 $0x0  }
0x6d: {  	[sflag:s0] =	ssyncadd.s32 @!p0 s1  }
0x6e: {  	[bflag:$0x3] =	sbarrier.arrive $0xFFFF  }
0x6f: {  	_ =	shalt  }

</sc_bundles>
